<compile_context>
chip_gen: v7x
topology: tpu7x:2x2x1
jax: 0.10.2.dev20260603
libtpu: 0.0.44.dev20260713+nightly
codegen_flags: <defaults>
</compile_context>

<pallas_src>
import functools

import jax
import jax.numpy as jnp
from jax import lax
from jax.experimental import pallas as pl
from jax.experimental.pallas import tpu as pltpu
from jax.experimental.pallas import tpu_sc as plsc

B, L, D = 16384, 50, 64
NC, NS = 2, 16
NW = NC * NS
BPW = B // NW
IG = 128
G = BPW // IG


def _body(table_hbm, idx_hbm, out_hbm, idx_v, buf0, buf1, buf2, buf3,
          sem0, sem1, sem2, sem3):
    c = lax.axis_index("c")
    s = lax.axis_index("s")
    wid = s * NC + c

    pltpu.sync_copy(idx_hbm.at[wid], idx_v)

    bufs = (buf0, buf1, buf2, buf3)
    sems = (sem0, sem1, sem2, sem3)

    def fire(g, r, b, add):
        pltpu.async_copy(table_hbm.at[idx_v.at[g, r]], bufs[b], sems[b],
                         add=add)

    def wait_one(b):
        pltpu.make_async_copy(
            table_hbm.at[idx_v.at[0, 0]], bufs[b], sems[b]
        ).wait()

    for g in range(G):
        fire(g, 0, g, False)

    def rloop(r, carry):
        for g in range(G):
            wait_one(g)
            fire(g, r, g, True)
        return carry

    lax.fori_loop(1, L, rloop, 0)

    for g in range(G):
        wait_one(g)
        pltpu.sync_copy(bufs[g], out_hbm.at[pl.ds(wid * BPW + g * IG, IG)])


_sc_call = functools.partial(
    pl.kernel,
    out_type=jax.ShapeDtypeStruct((B, D), jnp.float32),
    mesh=plsc.VectorSubcoreMesh(
        core_axis_name="c", subcore_axis_name="s",
        num_cores=NC, num_subcores=NS,
    ),
    scratch_types=[
        pltpu.VMEM((G, L, IG), jnp.int32),
        pltpu.VMEM((IG, D), jnp.float32),
        pltpu.VMEM((IG, D), jnp.float32),
        pltpu.VMEM((IG, D), jnp.float32),
        pltpu.VMEM((IG, D), jnp.float32),
        pltpu.SemaphoreType.DMA,
        pltpu.SemaphoreType.DMA,
        pltpu.SemaphoreType.DMA,
        pltpu.SemaphoreType.DMA,
    ],
    compiler_params=pltpu.CompilerParams(use_tc_tiling_on_sc=False),
)(_body)


@jax.jit
def kernel(tag_ids, table):
    idx = tag_ids.reshape(NW, G, IG, L).transpose(0, 1, 3, 2)
    return _sc_call(table, idx)

# --- scband reference (transcript-rebuilt; emitter-appended) ---
"""Pipeline reference for scband-tag-encoder-52321291600033 (READ-ONLY COPY).

The authoritative reference and input builder live on the scoring server;
editing this copy changes nothing except your own understanding.
"""

import jax, jax.numpy as jnp
import numpy as np

N_TAGS = 1000000
OUTPUT_DIM = 64
BATCH = 16384
HIST_LEN = 50

def setup_inputs(seed: int = 0) -> dict:
    key = jax.random.key(seed)
    k_idx, k_tab = jax.random.split(key)
    tag_ids = jax.random.randint(k_idx, (BATCH, HIST_LEN), 0, N_TAGS, dtype=jnp.int64 if jax.config.jax_enable_x64 else jnp.int32).astype(jnp.int32)
    table = jax.random.normal(k_tab, (N_TAGS, OUTPUT_DIM), dtype=jnp.float32)
    # padding_idx=0: torch initializes that row to zeros
    table = table.at[0].set(0.0)
    return {"tag_ids": tag_ids, "table": table}

def reference(tag_ids, table):
    # nn.Embedding lookup with padding_idx=0 (row 0 is zero), then sum over dim 1
    emb = jnp.take(table, tag_ids, axis=0)  # [B, L, D]
    # mask padding positions (row 0 is zero anyway; mask keeps semantics explicit)
    mask = (tag_ids != 0)[..., None].astype(emb.dtype)
    emb = emb * mask
    out = emb.sum(axis=1)  # [B, D]
    return out

if __name__ == "__main__":
    import jax
    _d = setup_inputs()
    print(jax.jit(kernel)(*tuple(_d.values())))

</pallas_src>

<mosaic_0001>
#map = affine_map<(d0, d1) -> (0, 0)>
#map1 = affine_map<(d0, d1) -> (0, 0, 0, 0)>
module attributes {stable_mosaic.version = 14 : i64} {
  func.func @_body(%arg0: i32, %arg1: i32, %arg2: memref<1000000x64xf32, #tpu.memory_space<hbm>>, %arg3: memref<32x4x50x128xi32, #tpu.memory_space<hbm>>, %arg4: memref<16384x64xf32, #tpu.memory_space<hbm>>, %arg5: memref<4x50x128xi32, #tpu.memory_space<vmem>>, %arg6: memref<128x64xf32, #tpu.memory_space<vmem>>, %arg7: memref<128x64xf32, #tpu.memory_space<vmem>>, %arg8: memref<128x64xf32, #tpu.memory_space<vmem>>, %arg9: memref<128x64xf32, #tpu.memory_space<vmem>>, %arg10: memref<!tpu.dma_semaphore, #tpu.memory_space<semaphore_mem>>, %arg11: memref<!tpu.dma_semaphore, #tpu.memory_space<semaphore_mem>>, %arg12: memref<!tpu.dma_semaphore, #tpu.memory_space<semaphore_mem>>, %arg13: memref<!tpu.dma_semaphore, #tpu.memory_space<semaphore_mem>>) attributes {dimension_semantics = [#tpu.dimension_semantics<core_parallel>, #tpu.dimension_semantics<subcore_parallel>], iteration_bounds = array<i64: 2, 16>, scalar_prefetch = 0 : i64, scratch_operands = 9 : i64, tpu.core_type = #tpu.core_type<sc_vector_subcore>, window_params = [{transform_indices = #map}, {transform_indices = #map1}, {transform_indices = #map}]} {
    %mul3A = arith.constant 2 : i32
    %mul3A_0 = arith.muli %arg1, %mul3A : i32
    %add3A = arith.addi %mul3A_0, %arg0 : i32
    "tpu.region"() ({
      %run_scoped3A = tpu.sem_alloc : memref<!tpu.dma_semaphore, #tpu.memory_space<semaphore_mem>>
      %dma_start3A_84 = arith.constant 0 : i32
      %dma_start3A_85 = arith.constant 0 : i32
      %dma_start3A_86 = arith.constant 0 : i32
      %dma_start3A_87 = tpu.memref_slice %arg3[%add3A, %dma_start3A_84, %dma_start3A_85, %dma_start3A_86] : memref<32x4x50x128xi32, #tpu.memory_space<hbm>> -> memref<1x4x50x128xi32, #tpu.memory_space<hbm>>
      %dma_start3A_88 = tpu.memref_squeeze %dma_start3A_87 : memref<1x4x50x128xi32, #tpu.memory_space<hbm>> -> memref<4x50x128xi32, #tpu.memory_space<hbm>>
      %dma_start3A_89 = arith.constant 0 : i32
      %dma_start3A_90 = arith.constant 0 : i32
      %dma_start3A_91 = arith.constant 0 : i32
      %dma_start3A_92 = tpu.memref_slice %arg3[%add3A, %dma_start3A_89, %dma_start3A_90, %dma_start3A_91] : memref<32x4x50x128xi32, #tpu.memory_space<hbm>> -> memref<1x4x50x128xi32, #tpu.memory_space<hbm>>
      %dma_start3A_93 = tpu.memref_squeeze %dma_start3A_92 : memref<1x4x50x128xi32, #tpu.memory_space<hbm>> -> memref<4x50x128xi32, #tpu.memory_space<hbm>>
      tpu.enqueue_dma source(%dma_start3A_93 : memref<4x50x128xi32, #tpu.memory_space<hbm>>) target(%arg5 : memref<4x50x128xi32, #tpu.memory_space<vmem>>) target_semaphore(%run_scoped3A : memref<!tpu.dma_semaphore, #tpu.memory_space<semaphore_mem>>)
      %dma_wait3A_94 = arith.constant 0 : i32
      %dma_wait3A_95 = arith.constant 0 : i32
      %dma_wait3A_96 = arith.constant 0 : i32
      %dma_wait3A_97 = tpu.memref_slice %arg3[%add3A, %dma_wait3A_94, %dma_wait3A_95, %dma_wait3A_96] : memref<32x4x50x128xi32, #tpu.memory_space<hbm>> -> memref<1x4x50x128xi32, #tpu.memory_space<hbm>>
      %dma_wait3A_98 = tpu.memref_squeeze %dma_wait3A_97 : memref<1x4x50x128xi32, #tpu.memory_space<hbm>> -> memref<4x50x128xi32, #tpu.memory_space<hbm>>
      %dma_wait3A_99 = arith.constant 0 : i32
      %dma_wait3A_100 = arith.constant 0 : i32
      %dma_wait3A_101 = arith.constant 0 : i32
      %dma_wait3A_102 = tpu.memref_slice %arg3[%add3A, %dma_wait3A_99, %dma_wait3A_100, %dma_wait3A_101] : memref<32x4x50x128xi32, #tpu.memory_space<hbm>> -> memref<1x4x50x128xi32, #tpu.memory_space<hbm>>
      %dma_wait3A_103 = tpu.memref_squeeze %dma_wait3A_102 : memref<1x4x50x128xi32, #tpu.memory_space<hbm>> -> memref<4x50x128xi32, #tpu.memory_space<hbm>>
      tpu.wait_dma2 semaphore(%run_scoped3A : memref<!tpu.dma_semaphore, #tpu.memory_space<semaphore_mem>>) src(%dma_wait3A_103 : memref<4x50x128xi32, #tpu.memory_space<hbm>>) dst(%arg5 : memref<4x50x128xi32, #tpu.memory_space<vmem>>)
      tpu.yield
    }) : () -> ()
    %dma_start3A = arith.constant 0 : i32
    %dma_start3A_1 = arith.constant 0 : i32
    %dma_start3A_2 = arith.constant 0 : i32
    %dma_start3A_3 = tpu.memref_slice %arg5[%dma_start3A, %dma_start3A_1, %dma_start3A_2] : memref<4x50x128xi32, #tpu.memory_space<vmem>> -> memref<1x1x128xi32, #tpu.memory_space<vmem>>
    %dma_start3A_4 = tpu.memref_squeeze %dma_start3A_3 : memref<1x1x128xi32, #tpu.memory_space<vmem>> -> memref<128xi32, #tpu.memory_space<vmem>>
    %dma_start3A_5 = arith.constant 0 : i32
    %dma_start3A_6 = arith.constant 0 : i32
    %dma_start3A_7 = tpu.memref_slice %arg2[%dma_start3A_5, %dma_start3A_6] : memref<1000000x64xf32, #tpu.memory_space<hbm>> -> memref<1000000x64xf32, #tpu.memory_space<hbm>>
    tpu.enqueue_indirect_dma source(%dma_start3A_7 : memref<1000000x64xf32, #tpu.memory_space<hbm>>) target(%arg6 : memref<128x64xf32, #tpu.memory_space<vmem>>) offsets(%dma_start3A_4 : memref<128xi32, #tpu.memory_space<vmem>>) semaphore(%arg10 : memref<!tpu.dma_semaphore, #tpu.memory_space<semaphore_mem>>)
    %dma_start3A_8 = arith.constant 1 : i32
    %dma_start3A_9 = arith.constant 0 : i32
    %dma_start3A_10 = arith.constant 0 : i32
    %dma_start3A_11 = tpu.memref_slice %arg5[%dma_start3A_8, %dma_start3A_9, %dma_start3A_10] : memref<4x50x128xi32, #tpu.memory_space<vmem>> -> memref<1x1x128xi32, #tpu.memory_space<vmem>>
    %dma_start3A_12 = tpu.memref_squeeze %dma_start3A_11 : memref<1x1x128xi32, #tpu.memory_space<vmem>> -> memref<128xi32, #tpu.memory_space<vmem>>
    %dma_start3A_13 = arith.constant 0 : i32
    %dma_start3A_14 = arith.constant 0 : i32
    %dma_start3A_15 = tpu.memref_slice %arg2[%dma_start3A_13, %dma_start3A_14] : memref<1000000x64xf32, #tpu.memory_space<hbm>> -> memref<1000000x64xf32, #tpu.memory_space<hbm>>
    tpu.enqueue_indirect_dma source(%dma_start3A_15 : memref<1000000x64xf32, #tpu.memory_space<hbm>>) target(%arg7 : memref<128x64xf32, #tpu.memory_space<vmem>>) offsets(%dma_start3A_12 : memref<128xi32, #tpu.memory_space<vmem>>) semaphore(%arg11 : memref<!tpu.dma_semaphore, #tpu.memory_space<semaphore_mem>>)
    %dma_start3A_16 = arith.constant 2 : i32
    %dma_start3A_17 = arith.constant 0 : i32
    %dma_start3A_18 = arith.constant 0 : i32
    %dma_start3A_19 = tpu.memref_slice %arg5[%dma_start3A_16, %dma_start3A_17, %dma_start3A_18] : memref<4x50x128xi32, #tpu.memory_space<vmem>> -> memref<1x1x128xi32, #tpu.memory_space<vmem>>
    %dma_start3A_20 = tpu.memref_squeeze %dma_start3A_19 : memref<1x1x128xi32, #tpu.memory_space<vmem>> -> memref<128xi32, #tpu.memory_space<vmem>>
    %dma_start3A_21 = arith.constant 0 : i32
    %dma_start3A_22 = arith.constant 0 : i32
    %dma_start3A_23 = tpu.memref_slice %arg2[%dma_start3A_21, %dma_start3A_22] : memref<1000000x64xf32, #tpu.memory_space<hbm>> -> memref<1000000x64xf32, #tpu.memory_space<hbm>>
    tpu.enqueue_indirect_dma source(%dma_start3A_23 : memref<1000000x64xf32, #tpu.memory_space<hbm>>) target(%arg8 : memref<128x64xf32, #tpu.memory_space<vmem>>) offsets(%dma_start3A_20 : memref<128xi32, #tpu.memory_space<vmem>>) semaphore(%arg12 : memref<!tpu.dma_semaphore, #tpu.memory_space<semaphore_mem>>)
    %dma_start3A_24 = arith.constant 3 : i32
    %dma_start3A_25 = arith.constant 0 : i32
    %dma_start3A_26 = arith.constant 0 : i32
    %dma_start3A_27 = tpu.memref_slice %arg5[%dma_start3A_24, %dma_start3A_25, %dma_start3A_26] : memref<4x50x128xi32, #tpu.memory_space<vmem>> -> memref<1x1x128xi32, #tpu.memory_space<vmem>>
    %dma_start3A_28 = tpu.memref_squeeze %dma_start3A_27 : memref<1x1x128xi32, #tpu.memory_space<vmem>> -> memref<128xi32, #tpu.memory_space<vmem>>
    %dma_start3A_29 = arith.constant 0 : i32
    %dma_start3A_30 = arith.constant 0 : i32
    %dma_start3A_31 = tpu.memref_slice %arg2[%dma_start3A_29, %dma_start3A_30] : memref<1000000x64xf32, #tpu.memory_space<hbm>> -> memref<1000000x64xf32, #tpu.memory_space<hbm>>
    tpu.enqueue_indirect_dma source(%dma_start3A_31 : memref<1000000x64xf32, #tpu.memory_space<hbm>>) target(%arg9 : memref<128x64xf32, #tpu.memory_space<vmem>>) offsets(%dma_start3A_28 : memref<128xi32, #tpu.memory_space<vmem>>) semaphore(%arg13 : memref<!tpu.dma_semaphore, #tpu.memory_space<semaphore_mem>>)
    %scan3A = arith.constant 0 : i32
    %scan3A_32 = arith.constant 1 : i32
    %scan3A_33 = arith.constant 49 : i32
    %scan3A_34 = arith.addi %scan3A_32, %scan3A_33 : i32
    %scan3A_35 = arith.constant 1 : i32
    scf.for %scan3A_84 = %scan3A_32 to %scan3A_34 step %scan3A_35  : i32 {
      %dma_wait3A_85 = arith.constant 0 : i32
      %dma_wait3A_86 = arith.constant 0 : i32
      %dma_wait3A_87 = arith.constant 0 : i32
      %dma_wait3A_88 = tpu.memref_slice %arg5[%dma_wait3A_85, %dma_wait3A_86, %dma_wait3A_87] : memref<4x50x128xi32, #tpu.memory_space<vmem>> -> memref<1x1x128xi32, #tpu.memory_space<vmem>>
      %dma_wait3A_89 = tpu.memref_squeeze %dma_wait3A_88 : memref<1x1x128xi32, #tpu.memory_space<vmem>> -> memref<128xi32, #tpu.memory_space<vmem>>
      %dma_wait3A_90 = arith.constant 0 : i32
      %dma_wait3A_91 = arith.constant 0 : i32
      %dma_wait3A_92 = tpu.memref_slice %arg2[%dma_wait3A_90, %dma_wait3A_91] : memref<1000000x64xf32, #tpu.memory_space<hbm>> -> memref<1000000x64xf32, #tpu.memory_space<hbm>>
      tpu.wait_indirect_dma semaphore(%arg10 : memref<!tpu.dma_semaphore, #tpu.memory_space<semaphore_mem>>) src(%dma_wait3A_92 : memref<1000000x64xf32, #tpu.memory_space<hbm>>) dst(%arg6 : memref<128x64xf32, #tpu.memory_space<vmem>>)
      %dma_start3A_93 = arith.constant 0 : i32
      %dma_start3A_94 = arith.constant 0 : i32
      %dma_start3A_95 = tpu.memref_slice %arg5[%dma_start3A_93, %scan3A_84, %dma_start3A_94] : memref<4x50x128xi32, #tpu.memory_space<vmem>> -> memref<1x1x128xi32, #tpu.memory_space<vmem>>
      %dma_start3A_96 = tpu.memref_squeeze %dma_start3A_95 : memref<1x1x128xi32, #tpu.memory_space<vmem>> -> memref<128xi32, #tpu.memory_space<vmem>>
      %dma_start3A_97 = arith.constant 0 : i32
      %dma_start3A_98 = arith.constant 0 : i32
      %dma_start3A_99 = tpu.memref_slice %arg2[%dma_start3A_97, %dma_start3A_98] : memref<1000000x64xf32, #tpu.memory_space<hbm>> -> memref<1000000x64xf32, #tpu.memory_space<hbm>>
      tpu.enqueue_indirect_dma source(%dma_start3A_99 : memref<1000000x64xf32, #tpu.memory_space<hbm>>) target(%arg6 : memref<128x64xf32, #tpu.memory_space<vmem>>) offsets(%dma_start3A_96 : memref<128xi32, #tpu.memory_space<vmem>>) semaphore(%arg10 : memref<!tpu.dma_semaphore, #tpu.memory_space<semaphore_mem>>) {add = true}
      %dma_wait3A_100 = arith.constant 0 : i32
      %dma_wait3A_101 = arith.constant 0 : i32
      %dma_wait3A_102 = arith.constant 0 : i32
      %dma_wait3A_103 = tpu.memref_slice %arg5[%dma_wait3A_100, %dma_wait3A_101, %dma_wait3A_102] : memref<4x50x128xi32, #tpu.memory_space<vmem>> -> memref<1x1x128xi32, #tpu.memory_space<vmem>>
      %dma_wait3A_104 = tpu.memref_squeeze %dma_wait3A_103 : memref<1x1x128xi32, #tpu.memory_space<vmem>> -> memref<128xi32, #tpu.memory_space<vmem>>
      %dma_wait3A_105 = arith.constant 0 : i32
      %dma_wait3A_106 = arith.constant 0 : i32
      %dma_wait3A_107 = tpu.memref_slice %arg2[%dma_wait3A_105, %dma_wait3A_106] : memref<1000000x64xf32, #tpu.memory_space<hbm>> -> memref<1000000x64xf32, #tpu.memory_space<hbm>>
      tpu.wait_indirect_dma semaphore(%arg11 : memref<!tpu.dma_semaphore, #tpu.memory_space<semaphore_mem>>) src(%dma_wait3A_107 : memref<1000000x64xf32, #tpu.memory_space<hbm>>) dst(%arg7 : memref<128x64xf32, #tpu.memory_space<vmem>>)
      %dma_start3A_108 = arith.constant 1 : i32
      %dma_start3A_109 = arith.constant 0 : i32
      %dma_start3A_110 = tpu.memref_slice %arg5[%dma_start3A_108, %scan3A_84, %dma_start3A_109] : memref<4x50x128xi32, #tpu.memory_space<vmem>> -> memref<1x1x128xi32, #tpu.memory_space<vmem>>
      %dma_start3A_111 = tpu.memref_squeeze %dma_start3A_110 : memref<1x1x128xi32, #tpu.memory_space<vmem>> -> memref<128xi32, #tpu.memory_space<vmem>>
      %dma_start3A_112 = arith.constant 0 : i32
      %dma_start3A_113 = arith.constant 0 : i32
      %dma_start3A_114 = tpu.memref_slice %arg2[%dma_start3A_112, %dma_start3A_113] : memref<1000000x64xf32, #tpu.memory_space<hbm>> -> memref<1000000x64xf32, #tpu.memory_space<hbm>>
      tpu.enqueue_indirect_dma source(%dma_start3A_114 : memref<1000000x64xf32, #tpu.memory_space<hbm>>) target(%arg7 : memref<128x64xf32, #tpu.memory_space<vmem>>) offsets(%dma_start3A_111 : memref<128xi32, #tpu.memory_space<vmem>>) semaphore(%arg11 : memref<!tpu.dma_semaphore, #tpu.memory_space<semaphore_mem>>) {add = true}
      %dma_wait3A_115 = arith.constant 0 : i32
      %dma_wait3A_116 = arith.constant 0 : i32
      %dma_wait3A_117 = arith.constant 0 : i32
      %dma_wait3A_118 = tpu.memref_slice %arg5[%dma_wait3A_115, %dma_wait3A_116, %dma_wait3A_117] : memref<4x50x128xi32, #tpu.memory_space<vmem>> -> memref<1x1x128xi32, #tpu.memory_space<vmem>>
      %dma_wait3A_119 = tpu.memref_squeeze %dma_wait3A_118 : memref<1x1x128xi32, #tpu.memory_space<vmem>> -> memref<128xi32, #tpu.memory_space<vmem>>
      %dma_wait3A_120 = arith.constant 0 : i32
      %dma_wait3A_121 = arith.constant 0 : i32
      %dma_wait3A_122 = tpu.memref_slice %arg2[%dma_wait3A_120, %dma_wait3A_121] : memref<1000000x64xf32, #tpu.memory_space<hbm>> -> memref<1000000x64xf32, #tpu.memory_space<hbm>>
      tpu.wait_indirect_dma semaphore(%arg12 : memref<!tpu.dma_semaphore, #tpu.memory_space<semaphore_mem>>) src(%dma_wait3A_122 : memref<1000000x64xf32, #tpu.memory_space<hbm>>) dst(%arg8 : memref<128x64xf32, #tpu.memory_space<vmem>>)
      %dma_start3A_123 = arith.constant 2 : i32
      %dma_start3A_124 = arith.constant 0 : i32
      %dma_start3A_125 = tpu.memref_slice %arg5[%dma_start3A_123, %scan3A_84, %dma_start3A_124] : memref<4x50x128xi32, #tpu.memory_space<vmem>> -> memref<1x1x128xi32, #tpu.memory_space<vmem>>
      %dma_start3A_126 = tpu.memref_squeeze %dma_start3A_125 : memref<1x1x128xi32, #tpu.memory_space<vmem>> -> memref<128xi32, #tpu.memory_space<vmem>>
      %dma_start3A_127 = arith.constant 0 : i32
      %dma_start3A_128 = arith.constant 0 : i32
      %dma_start3A_129 = tpu.memref_slice %arg2[%dma_start3A_127, %dma_start3A_128] : memref<1000000x64xf32, #tpu.memory_space<hbm>> -> memref<1000000x64xf32, #tpu.memory_space<hbm>>
      tpu.enqueue_indirect_dma source(%dma_start3A_129 : memref<1000000x64xf32, #tpu.memory_space<hbm>>) target(%arg8 : memref<128x64xf32, #tpu.memory_space<vmem>>) offsets(%dma_start3A_126 : memref<128xi32, #tpu.memory_space<vmem>>) semaphore(%arg12 : memref<!tpu.dma_semaphore, #tpu.memory_space<semaphore_mem>>) {add = true}
      %dma_wait3A_130 = arith.constant 0 : i32
      %dma_wait3A_131 = arith.constant 0 : i32
      %dma_wait3A_132 = arith.constant 0 : i32
      %dma_wait3A_133 = tpu.memref_slice %arg5[%dma_wait3A_130, %dma_wait3A_131, %dma_wait3A_132] : memref<4x50x128xi32, #tpu.memory_space<vmem>> -> memref<1x1x128xi32, #tpu.memory_space<vmem>>
      %dma_wait3A_134 = tpu.memref_squeeze %dma_wait3A_133 : memref<1x1x128xi32, #tpu.memory_space<vmem>> -> memref<128xi32, #tpu.memory_space<vmem>>
      %dma_wait3A_135 = arith.constant 0 : i32
      %dma_wait3A_136 = arith.constant 0 : i32
      %dma_wait3A_137 = tpu.memref_slice %arg2[%dma_wait3A_135, %dma_wait3A_136] : memref<1000000x64xf32, #tpu.memory_space<hbm>> -> memref<1000000x64xf32, #tpu.memory_space<hbm>>
      tpu.wait_indirect_dma semaphore(%arg13 : memref<!tpu.dma_semaphore, #tpu.memory_space<semaphore_mem>>) src(%dma_wait3A_137 : memref<1000000x64xf32, #tpu.memory_space<hbm>>) dst(%arg9 : memref<128x64xf32, #tpu.memory_space<vmem>>)
      %dma_start3A_138 = arith.constant 3 : i32
      %dma_start3A_139 = arith.constant 0 : i32
      %dma_start3A_140 = tpu.memref_slice %arg5[%dma_start3A_138, %scan3A_84, %dma_start3A_139] : memref<4x50x128xi32, #tpu.memory_space<vmem>> -> memref<1x1x128xi32, #tpu.memory_space<vmem>>
      %dma_start3A_141 = tpu.memref_squeeze %dma_start3A_140 : memref<1x1x128xi32, #tpu.memory_space<vmem>> -> memref<128xi32, #tpu.memory_space<vmem>>
      %dma_start3A_142 = arith.constant 0 : i32
      %dma_start3A_143 = arith.constant 0 : i32
      %dma_start3A_144 = tpu.memref_slice %arg2[%dma_start3A_142, %dma_start3A_143] : memref<1000000x64xf32, #tpu.memory_space<hbm>> -> memref<1000000x64xf32, #tpu.memory_space<hbm>>
      tpu.enqueue_indirect_dma source(%dma_start3A_144 : memref<1000000x64xf32, #tpu.memory_space<hbm>>) target(%arg9 : memref<128x64xf32, #tpu.memory_space<vmem>>) offsets(%dma_start3A_141 : memref<128xi32, #tpu.memory_space<vmem>>) semaphore(%arg13 : memref<!tpu.dma_semaphore, #tpu.memory_space<semaphore_mem>>) {add = true}
    }
    %scan3A_36 = arith.constant 49 : i32
    %dma_wait3A = arith.constant 0 : i32
    %dma_wait3A_37 = arith.constant 0 : i32
    %dma_wait3A_38 = arith.constant 0 : i32
    %dma_wait3A_39 = tpu.memref_slice %arg5[%dma_wait3A, %dma_wait3A_37, %dma_wait3A_38] : memref<4x50x128xi32, #tpu.memory_space<vmem>> -> memref<1x1x128xi32, #tpu.memory_space<vmem>>
    %dma_wait3A_40 = tpu.memref_squeeze %dma_wait3A_39 : memref<1x1x128xi32, #tpu.memory_space<vmem>> -> memref<128xi32, #tpu.memory_space<vmem>>
    %dma_wait3A_41 = arith.constant 0 : i32
    %dma_wait3A_42 = arith.constant 0 : i32
    %dma_wait3A_43 = tpu.memref_slice %arg2[%dma_wait3A_41, %dma_wait3A_42] : memref<1000000x64xf32, #tpu.memory_space<hbm>> -> memref<1000000x64xf32, #tpu.memory_space<hbm>>
    tpu.wait_indirect_dma semaphore(%arg10 : memref<!tpu.dma_semaphore, #tpu.memory_space<semaphore_mem>>) src(%dma_wait3A_43 : memref<1000000x64xf32, #tpu.memory_space<hbm>>) dst(%arg6 : memref<128x64xf32, #tpu.memory_space<vmem>>)
    %mul3A_44 = arith.constant 512 : i32
    %mul3A_45 = arith.muli %add3A, %mul3A_44 : i32
    %add3A_46 = arith.constant 0 : i32
    %add3A_47 = arith.addi %mul3A_45, %add3A_46 : i32
    "tpu.region"() ({
      %run_scoped3A = tpu.sem_alloc : memref<!tpu.dma_semaphore, #tpu.memory_space<semaphore_mem>>
      %dma_start3A_84 = arith.constant 0 : i32
      %dma_start3A_85 = tpu.memref_slice %arg4[%add3A_47, %dma_start3A_84] : memref<16384x64xf32, #tpu.memory_space<hbm>> -> memref<128x64xf32, #tpu.memory_space<hbm>>
      %dma_start3A_86 = arith.constant 0 : i32
      %dma_start3A_87 = tpu.memref_slice %arg4[%add3A_47, %dma_start3A_86] : memref<16384x64xf32, #tpu.memory_space<hbm>> -> memref<128x64xf32, #tpu.memory_space<hbm>>
      tpu.enqueue_dma source(%arg6 : memref<128x64xf32, #tpu.memory_space<vmem>>) target(%dma_start3A_87 : memref<128x64xf32, #tpu.memory_space<hbm>>) target_semaphore(%run_scoped3A : memref<!tpu.dma_semaphore, #tpu.memory_space<semaphore_mem>>)
      %dma_wait3A_88 = arith.constant 0 : i32
      %dma_wait3A_89 = tpu.memref_slice %arg4[%add3A_47, %dma_wait3A_88] : memref<16384x64xf32, #tpu.memory_space<hbm>> -> memref<128x64xf32, #tpu.memory_space<hbm>>
      %dma_wait3A_90 = arith.constant 0 : i32
      %dma_wait3A_91 = tpu.memref_slice %arg4[%add3A_47, %dma_wait3A_90] : memref<16384x64xf32, #tpu.memory_space<hbm>> -> memref<128x64xf32, #tpu.memory_space<hbm>>
      tpu.wait_dma2 semaphore(%run_scoped3A : memref<!tpu.dma_semaphore, #tpu.memory_space<semaphore_mem>>) src(%arg6 : memref<128x64xf32, #tpu.memory_space<vmem>>) dst(%dma_wait3A_91 : memref<128x64xf32, #tpu.memory_space<hbm>>)
      tpu.yield
    }) : () -> ()
    %dma_wait3A_48 = arith.constant 0 : i32
    %dma_wait3A_49 = arith.constant 0 : i32
    %dma_wait3A_50 = arith.constant 0 : i32
    %dma_wait3A_51 = tpu.memref_slice %arg5[%dma_wait3A_48, %dma_wait3A_49, %dma_wait3A_50] : memref<4x50x128xi32, #tpu.memory_space<vmem>> -> memref<1x1x128xi32, #tpu.memory_space<vmem>>
    %dma_wait3A_52 = tpu.memref_squeeze %dma_wait3A_51 : memref<1x1x128xi32, #tpu.memory_space<vmem>> -> memref<128xi32, #tpu.memory_space<vmem>>
    %dma_wait3A_53 = arith.constant 0 : i32
    %dma_wait3A_54 = arith.constant 0 : i32
    %dma_wait3A_55 = tpu.memref_slice %arg2[%dma_wait3A_53, %dma_wait3A_54] : memref<1000000x64xf32, #tpu.memory_space<hbm>> -> memref<1000000x64xf32, #tpu.memory_space<hbm>>
    tpu.wait_indirect_dma semaphore(%arg11 : memref<!tpu.dma_semaphore, #tpu.memory_space<semaphore_mem>>) src(%dma_wait3A_55 : memref<1000000x64xf32, #tpu.memory_space<hbm>>) dst(%arg7 : memref<128x64xf32, #tpu.memory_space<vmem>>)
    %mul3A_56 = arith.constant 512 : i32
    %mul3A_57 = arith.muli %add3A, %mul3A_56 : i32
    %add3A_58 = arith.constant 128 : i32
    %add3A_59 = arith.addi %mul3A_57, %add3A_58 : i32
    "tpu.region"() ({
      %run_scoped3A = tpu.sem_alloc : memref<!tpu.dma_semaphore, #tpu.memory_space<semaphore_mem>>
      %dma_start3A_84 = arith.constant 0 : i32
      %dma_start3A_85 = tpu.memref_slice %arg4[%add3A_59, %dma_start3A_84] : memref<16384x64xf32, #tpu.memory_space<hbm>> -> memref<128x64xf32, #tpu.memory_space<hbm>>
      %dma_start3A_86 = arith.constant 0 : i32
      %dma_start3A_87 = tpu.memref_slice %arg4[%add3A_59, %dma_start3A_86] : memref<16384x64xf32, #tpu.memory_space<hbm>> -> memref<128x64xf32, #tpu.memory_space<hbm>>
      tpu.enqueue_dma source(%arg7 : memref<128x64xf32, #tpu.memory_space<vmem>>) target(%dma_start3A_87 : memref<128x64xf32, #tpu.memory_space<hbm>>) target_semaphore(%run_scoped3A : memref<!tpu.dma_semaphore, #tpu.memory_space<semaphore_mem>>)
      %dma_wait3A_88 = arith.constant 0 : i32
      %dma_wait3A_89 = tpu.memref_slice %arg4[%add3A_59, %dma_wait3A_88] : memref<16384x64xf32, #tpu.memory_space<hbm>> -> memref<128x64xf32, #tpu.memory_space<hbm>>
      %dma_wait3A_90 = arith.constant 0 : i32
      %dma_wait3A_91 = tpu.memref_slice %arg4[%add3A_59, %dma_wait3A_90] : memref<16384x64xf32, #tpu.memory_space<hbm>> -> memref<128x64xf32, #tpu.memory_space<hbm>>
      tpu.wait_dma2 semaphore(%run_scoped3A : memref<!tpu.dma_semaphore, #tpu.memory_space<semaphore_mem>>) src(%arg7 : memref<128x64xf32, #tpu.memory_space<vmem>>) dst(%dma_wait3A_91 : memref<128x64xf32, #tpu.memory_space<hbm>>)
      tpu.yield
    }) : () -> ()
    %dma_wait3A_60 = arith.constant 0 : i32
    %dma_wait3A_61 = arith.constant 0 : i32
    %dma_wait3A_62 = arith.constant 0 : i32
    %dma_wait3A_63 = tpu.memref_slice %arg5[%dma_wait3A_60, %dma_wait3A_61, %dma_wait3A_62] : memref<4x50x128xi32, #tpu.memory_space<vmem>> -> memref<1x1x128xi32, #tpu.memory_space<vmem>>
    %dma_wait3A_64 = tpu.memref_squeeze %dma_wait3A_63 : memref<1x1x128xi32, #tpu.memory_space<vmem>> -> memref<128xi32, #tpu.memory_space<vmem>>
    %dma_wait3A_65 = arith.constant 0 : i32
    %dma_wait3A_66 = arith.constant 0 : i32
    %dma_wait3A_67 = tpu.memref_slice %arg2[%dma_wait3A_65, %dma_wait3A_66] : memref<1000000x64xf32, #tpu.memory_space<hbm>> -> memref<1000000x64xf32, #tpu.memory_space<hbm>>
    tpu.wait_indirect_dma semaphore(%arg12 : memref<!tpu.dma_semaphore, #tpu.memory_space<semaphore_mem>>) src(%dma_wait3A_67 : memref<1000000x64xf32, #tpu.memory_space<hbm>>) dst(%arg8 : memref<128x64xf32, #tpu.memory_space<vmem>>)
    %mul3A_68 = arith.constant 512 : i32
    %mul3A_69 = arith.muli %add3A, %mul3A_68 : i32
    %add3A_70 = arith.constant 256 : i32
    %add3A_71 = arith.addi %mul3A_69, %add3A_70 : i32
    "tpu.region"() ({
      %run_scoped3A = tpu.sem_alloc : memref<!tpu.dma_semaphore, #tpu.memory_space<semaphore_mem>>
      %dma_start3A_84 = arith.constant 0 : i32
      %dma_start3A_85 = tpu.memref_slice %arg4[%add3A_71, %dma_start3A_84] : memref<16384x64xf32, #tpu.memory_space<hbm>> -> memref<128x64xf32, #tpu.memory_space<hbm>>
      %dma_start3A_86 = arith.constant 0 : i32
      %dma_start3A_87 = tpu.memref_slice %arg4[%add3A_71, %dma_start3A_86] : memref<16384x64xf32, #tpu.memory_space<hbm>> -> memref<128x64xf32, #tpu.memory_space<hbm>>
      tpu.enqueue_dma source(%arg8 : memref<128x64xf32, #tpu.memory_space<vmem>>) target(%dma_start3A_87 : memref<128x64xf32, #tpu.memory_space<hbm>>) target_semaphore(%run_scoped3A : memref<!tpu.dma_semaphore, #tpu.memory_space<semaphore_mem>>)
      %dma_wait3A_88 = arith.constant 0 : i32
      %dma_wait3A_89 = tpu.memref_slice %arg4[%add3A_71, %dma_wait3A_88] : memref<16384x64xf32, #tpu.memory_space<hbm>> -> memref<128x64xf32, #tpu.memory_space<hbm>>
      %dma_wait3A_90 = arith.constant 0 : i32
      %dma_wait3A_91 = tpu.memref_slice %arg4[%add3A_71, %dma_wait3A_90] : memref<16384x64xf32, #tpu.memory_space<hbm>> -> memref<128x64xf32, #tpu.memory_space<hbm>>
      tpu.wait_dma2 semaphore(%run_scoped3A : memref<!tpu.dma_semaphore, #tpu.memory_space<semaphore_mem>>) src(%arg8 : memref<128x64xf32, #tpu.memory_space<vmem>>) dst(%dma_wait3A_91 : memref<128x64xf32, #tpu.memory_space<hbm>>)
      tpu.yield
    }) : () -> ()
    %dma_wait3A_72 = arith.constant 0 : i32
    %dma_wait3A_73 = arith.constant 0 : i32
    %dma_wait3A_74 = arith.constant 0 : i32
    %dma_wait3A_75 = tpu.memref_slice %arg5[%dma_wait3A_72, %dma_wait3A_73, %dma_wait3A_74] : memref<4x50x128xi32, #tpu.memory_space<vmem>> -> memref<1x1x128xi32, #tpu.memory_space<vmem>>
    %dma_wait3A_76 = tpu.memref_squeeze %dma_wait3A_75 : memref<1x1x128xi32, #tpu.memory_space<vmem>> -> memref<128xi32, #tpu.memory_space<vmem>>
    %dma_wait3A_77 = arith.constant 0 : i32
    %dma_wait3A_78 = arith.constant 0 : i32
    %dma_wait3A_79 = tpu.memref_slice %arg2[%dma_wait3A_77, %dma_wait3A_78] : memref<1000000x64xf32, #tpu.memory_space<hbm>> -> memref<1000000x64xf32, #tpu.memory_space<hbm>>
    tpu.wait_indirect_dma semaphore(%arg13 : memref<!tpu.dma_semaphore, #tpu.memory_space<semaphore_mem>>) src(%dma_wait3A_79 : memref<1000000x64xf32, #tpu.memory_space<hbm>>) dst(%arg9 : memref<128x64xf32, #tpu.memory_space<vmem>>)
    %mul3A_80 = arith.constant 512 : i32
    %mul3A_81 = arith.muli %add3A, %mul3A_80 : i32
    %add3A_82 = arith.constant 384 : i32
    %add3A_83 = arith.addi %mul3A_81, %add3A_82 : i32
    "tpu.region"() ({
      %run_scoped3A = tpu.sem_alloc : memref<!tpu.dma_semaphore, #tpu.memory_space<semaphore_mem>>
      %dma_start3A_84 = arith.constant 0 : i32
      %dma_start3A_85 = tpu.memref_slice %arg4[%add3A_83, %dma_start3A_84] : memref<16384x64xf32, #tpu.memory_space<hbm>> -> memref<128x64xf32, #tpu.memory_space<hbm>>
      %dma_start3A_86 = arith.constant 0 : i32
      %dma_start3A_87 = tpu.memref_slice %arg4[%add3A_83, %dma_start3A_86] : memref<16384x64xf32, #tpu.memory_space<hbm>> -> memref<128x64xf32, #tpu.memory_space<hbm>>
      tpu.enqueue_dma source(%arg9 : memref<128x64xf32, #tpu.memory_space<vmem>>) target(%dma_start3A_87 : memref<128x64xf32, #tpu.memory_space<hbm>>) target_semaphore(%run_scoped3A : memref<!tpu.dma_semaphore, #tpu.memory_space<semaphore_mem>>)
      %dma_wait3A_88 = arith.constant 0 : i32
      %dma_wait3A_89 = tpu.memref_slice %arg4[%add3A_83, %dma_wait3A_88] : memref<16384x64xf32, #tpu.memory_space<hbm>> -> memref<128x64xf32, #tpu.memory_space<hbm>>
      %dma_wait3A_90 = arith.constant 0 : i32
      %dma_wait3A_91 = tpu.memref_slice %arg4[%add3A_83, %dma_wait3A_90] : memref<16384x64xf32, #tpu.memory_space<hbm>> -> memref<128x64xf32, #tpu.memory_space<hbm>>
      tpu.wait_dma2 semaphore(%run_scoped3A : memref<!tpu.dma_semaphore, #tpu.memory_space<semaphore_mem>>) src(%arg9 : memref<128x64xf32, #tpu.memory_space<vmem>>) dst(%dma_wait3A_91 : memref<128x64xf32, #tpu.memory_space<hbm>>)
      tpu.yield
    }) : () -> ()
    return
  }
}

</mosaic_0001>

<sc_bundles>
// kernel: kernel.3.cloned.1.call-start
scs
__scs_entry_jumppad:
0x0: {  	(pc) =	sbr.rel $0x88, $3  }
0x1: {  	(tag) =	ssettag $0x0;
	lr =	simm.s32 $0x1  }
0x2: {  	[smem:$0x3F9F] =	sst lr;
	_ =	strace $0xD0000000  }
0x3: {  	_ = 	snop  }
0x4: {  	_ = 	snop  }
0x5: {  	_ = 	snop  }
0x6: {  	_ = 	snop  }
0x7: {  	_ = 	snop  }
__scs_overlays_trampoline_lowered:
0x8: {  	[smem:$0x3FAE] =	sst s0  }
0x9: {  	[smem:$0x3FAF] =	sst s1  }
0xa: {  	[smem:$0x3FB0] =	sst s2  }
0xb: {  	[smem:$0x3FB1] =	sst s3  }
0xc: {  	[smem:$0x3FB2] =	sst s4  }
0xd: {  	[smem:$0x3FB3] =	sst s5  }
0xe: {  	[smem:$0x3FB4] =	sst s6  }
0xf: {  	[smem:$0x3FB5] =	sst s7  }
0x10: {  	[smem:$0x3FB6] =	sst s8  }
0x11: {  	[smem:$0x3FB7] =	sst s9;
	s0 =	simm.s32 @!p0 $0x0  }
0x12: {  	s1 =	sld [smem:$0x3F9D];
	s0 =	simm.s32 @p0 $0x1  }
0x13: {  	[smem:$0x3FB8] =	sst s0;
	s0 =	simm.s32 @!p1 $0x0  }
0x14: {  	s2 =	sld [smem:$0x3F9C];
	s0 =	simm.s32 @p1 $0x1  }
0x15: {  	[smem:$0x3FB9] =	sst s0;
	s0 =	simm.s32 @!p2 $0x0  }
0x16: {  	s3 =	sld [smem:$0x3FDB];
	s0 =	simm.s32 @p2 $0x1  }
0x17: {  	s4 =	simm.s32 $0x1BF5;
	[smem:$0x3FBB] =	sst s0  }
0x18: {  	s0 =	sld [smem:$0x3F9E];
	_ =	swait.ge [sflag:s4], $0x0  }
0x19: {  	s7 =	sld [smem:$0x3F9F]  }
0x1a: {  	s8 =	sadd.s32 $0xFFFFE003, lr  }
0x1b: {  	s9 =	sadd.s32 $0xFFFFFEF7, lr;
	s5 =	simm.s32 $0xFFFFFFFF;
	p2 =	slt.u32 s8, $0xFFFFF086  }
0x1c: {  	p1 =	slt.u32 s9, $0xF7A;
	s5 =	simm.s32 @!p2 $0x0  }
0x1d: {  	s5 =	simm.s32 @p1 $0x1;
	p0 =	seq.s32 s7, s2  }
0x1e: {  	s7 =	smul.u32 @!p0 $0xF7A, s2;
	p2 =	seq.s32 @!p0 s5, $0x0  }
0x1f: {  	s9 =	smul.u32 $0xF7A, s1;
	s8 =	simm.s32 @!p0 $0x1BF5;
	p2 =	por !p2, p0  }
0x20: {  	[sflag:s8] =	ssyncset.s32 @!p0 $0xFFFFF086;
	s6 =	sadd.s32 @!p0 s3, s7;
	s7 =	simm.s32 @!p0 $0x108  }
0x21: {  	s3 =	sadd.s32 s3, s9;
	s6 =	sadd.s32 @!p0 $0x88, s6;
	s7 =	simm.s32 @p2 $0x1082  }
0x22: {  	[simem:s7], [sflag:s8] =	dma.local @!p0 [hbm:s6], $0xF7A  }
0x23: {  	s9 =	sor.u32 $0xD0000000, s2;
	s6 =	simm.s32 $0x108;
	_ =	swait.ge @!p0 [sflag:s8], $0x0  }
0x24: {  	s3 =	sadd.s32 $0x88, s3;
	s6 =	simm.s32 @!p1 $0x1082;
	[sflag:s4] =	ssyncset.s32 $0xFFFFF086  }
0x25: {  	[simem:s6], [sflag:s4] =	dma.local [hbm:s3], $0xF7A  }
0x26: {  	[smem:$0x3F9F] =	sst s1;
	(tag) =	ssettag s2;
	_ =	strace s9  }
0x27: {  	s1 =	sld [smem:$0x3FAF]  }
0x28: {  	s2 =	sld [smem:$0x3FB0]  }
0x29: {  	s4 =	sld [smem:$0x3FB2]  }
0x2a: {  	p0 =	seq.s32 s5, $0x0;
	s5 =	sld [smem:$0x3FB3]  }
0x2b: {  	s6 =	sld [smem:$0x3FB4]  }
0x2c: {  	s7 =	sld [smem:$0x3FB5]  }
0x2d: {  	s3 =	simm.s32 $0x108;
	s8 =	sld [smem:$0x3FB6]  }
0x2e: {  	s3 =	simm.s32 @!p0 $0x1082;
	s9 =	sld [smem:$0x3FB7]  }
0x2f: {  	lr =	sadd.s32 s0, s3;
	s0 =	sld [smem:$0x3FAE]  }
0x30: {  	s3 =	sld [smem:$0x3FB1]  }
0x31: {  	[smem:$0x3FBA] =	sst s10  }
0x32: {  	s10 =	sld [smem:$0x3FB8];
	_ =	sdelay $0x3  }
0x33: {  	p0 =	seq.s32 s10, $0x1;
	s10 =	sld [smem:$0x3FBA];
	_ =	sdelay $0x3  }
0x34: {  	[smem:$0x3FBA] =	sst s10  }
0x35: {  	s10 =	sld [smem:$0x3FB9];
	_ =	sdelay $0x3  }
0x36: {  	p1 =	seq.s32 s10, $0x1;
	s10 =	sld [smem:$0x3FBA];
	_ =	sdelay $0x3  }
0x37: {  	[smem:$0x3FBA] =	sst s10  }
0x38: {  	s10 =	sld [smem:$0x3FBB]  }
0x39: {  	_ = 	snop;
	(pc) =	sbr.ind lr, $3  }
0x3a: {  	_ = 	snop  }
0x3b: {  	_ = 	snop  }
0x3c: {  	p2 =	seq.s32 s10, $0x1;
	s10 =	sld [smem:$0x3FBA]  }
0x3d: {  	_ =	shalt  }
0x3e: {  	_ =	shalt  }
0x3f: {  	_ =	shalt  }
0x40: {  	_ =	shalt  }
0x41: {  	_ =	shalt  }
0x42: {  	_ =	shalt  }
0x43: {  	_ =	shalt  }
0x44: {  	_ =	shalt  }
0x45: {  	_ =	shalt  }
0x46: {  	_ =	shalt  }
0x47: {  	_ =	shalt  }
0x48: {  	_ =	shalt  }
0x49: {  	_ =	shalt  }
0x4a: {  	_ =	shalt  }
0x4b: {  	_ =	shalt  }
0x4c: {  	_ =	shalt  }
0x4d: {  	_ =	shalt  }
0x4e: {  	_ =	shalt  }
0x4f: {  	_ =	shalt  }
0x50: {  	_ =	shalt  }
0x51: {  	_ =	shalt  }
0x52: {  	_ =	shalt  }
0x53: {  	_ =	shalt  }
0x54: {  	_ =	shalt  }
0x55: {  	_ =	shalt  }
0x56: {  	_ =	shalt  }
0x57: {  	_ =	shalt  }
0x58: {  	_ =	shalt  }
0x59: {  	_ =	shalt  }
0x5a: {  	_ =	shalt  }
0x5b: {  	_ =	shalt  }
0x5c: {  	_ =	shalt  }
0x5d: {  	_ =	shalt  }
0x5e: {  	_ =	shalt  }
0x5f: {  	_ =	shalt  }
0x60: {  	_ =	shalt  }
0x61: {  	_ =	shalt  }
0x62: {  	_ =	shalt  }
0x63: {  	_ =	shalt  }
0x64: {  	_ =	shalt  }
0x65: {  	_ =	shalt  }
0x66: {  	_ =	shalt  }
0x67: {  	_ =	shalt  }
0x68: {  	_ =	shalt  }
0x69: {  	_ =	shalt  }
0x6a: {  	_ =	shalt  }
0x6b: {  	_ =	shalt  }
0x6c: {  	_ =	shalt  }
0x6d: {  	_ =	shalt  }
0x6e: {  	_ =	shalt  }
0x6f: {  	_ =	shalt  }
0x70: {  	_ =	shalt  }
0x71: {  	_ =	shalt  }
0x72: {  	_ =	shalt  }
0x73: {  	_ =	shalt  }
0x74: {  	_ =	shalt  }
0x75: {  	_ =	shalt  }
0x76: {  	_ =	shalt  }
0x77: {  	_ =	shalt  }
0x78: {  	_ =	shalt  }
0x79: {  	_ =	shalt  }
0x7a: {  	_ =	shalt  }
0x7b: {  	_ =	shalt  }
0x7c: {  	_ =	shalt  }
0x7d: {  	_ =	shalt  }
0x7e: {  	_ =	shalt  }
0x7f: {  	_ =	shalt  }
0x80: {  	_ =	shalt  }
0x81: {  	_ =	shalt  }
0x82: {  	_ =	shalt  }
0x83: {  	_ =	shalt  }
0x84: {  	_ =	shalt  }
0x85: {  	_ =	shalt  }
0x86: {  	_ =	shalt  }
0x87: {  	_ =	shalt  }
.Lfunc_end0:
.L_simem_size_0:
called_computation_lowered:
.L_overlay_start_0:
0x88: {  	s2 =	sld [smem:$0x3FD9]  }
0x89: {  	s3 =	sld [smem:$0x3FFE];
	_ =	sdelay $0x1  }
0x8a: {  	s1 =	srdreg.scid  }
0x8b: {  	s0 =	sand.u32 $0x1, s1  }
0x8c: {  	s17 =	sshll.u32 s0, $0xA;
	s2 =	sadd.s32 s3, s2  }
0x8d: {  	s2 =	sadd.s32 s2, s17  }
0x8e: {  	[smem:$0x3FC6] =	sst s2  }
0x8f: {  	_ = 	snop  }
0x90: {  	s2 =	sld [smem:$0x3FD0];
	(tm) =	ssettm $0x1  }
0x91: {  	s18 =	sld [smem:$0x3FFB];
	_ =	sdelay $0x3  }
0x92: {  	_ =	strace s18  }
0x93: {  	s3 =	sld [smem:$0x3FFC];
	_ =	sdelay $0x3  }
0x94: {  	_ =	strace s3  }
0x95: {  	s3 =	sld [smem:$0x3FFD];
	_ =	sdelay $0x3  }
0x96: {  	_ =	strace s3  }
0x97: {  	_ =	strace $0x8FFFFFFF  }
0x98: {  	s19 =	sld [smem:$0x3FDB];
	_ =	sdelay $0x1  }
0x99: {  	s4 =	simm.s32 $_scs_section_size  }
0x9a: {  	s5 =	simm.s32 $_size__tile_overlayer_lowered;
	s6 =	simm.s32 $_tile_overlayer_lowered  }
0x9b: {  	s22 =	simm.s32 $0x1BFF;
	s21 =	sshll.u32 s6, $0x1;
	s3 =	sadd.s32 s4, s19  }
0x9c: {  	s7 =	simm.s32 $0x0;
	s20 =	sshll.u32 s5, $0x1;
	s5 =	sadd.s32 s21, s3  }
0x9d: {  	[timem:s7], [sflag:s22] =	dma.local [hbm:s5], s20  }
0x9e: {  	_ =	swait.ge [sflag:s22], s20  }
0x9f: {  	s4 =	ssub.s32 $0x0, s20;
	[sflag:s22] =	ssyncset.done $0x0  }
0xa0: {  	[sflag:s22] =	ssyncadd.s32 s4;
	_ =	sdelay $0x1  }
0xa1: {  	s23 =	simm.s32 $0x1B8B  }
0xa2: {  	_ =	swait.ge [sflag:s23], $0x1  }
0xa3: {  	[sflag:s23] =	ssyncset.done $0x0  }
0xa4: {  	s25 =	simm.s32 $0x1B8E;
	s24 =	sld [smem:$0x3FFE];
	[sflag:s23] =	ssyncadd.s32 $0xFFFFFFFF  }
0xa5: {  	s26 =	simm.s32 $execute0_lowered;
	[smem:$0x3FD2] =	sst s25  }
0xa6: {  	s5 =	sshll.u32 s26, $0x1;
	_ =	strace $0x80000046;
	[dreg:$0x1] =	wrdreg $0xFFFFFFFF  }
0xa7: {  	s28 =	simm.s32 $_size_execute0_lowered;
	s3 =	sadd.s32 s3, s5;
	[dreg:$0x0] =	wrdreg $0x0  }
0xa8: {  	s5 =	sshll.u32 s28, $0x1;
	[dreg:$0x2] =	wrdreg s3  }
0xa9: {  	[dreg:$0x3] =	wrdreg s5  }
0xaa: {  	[dreg:$0x4] =	wrdreg $0xC0  }
0xab: {  	_ =	task [dreg:s7], $0x5FFFF  }
0xac: {  	[dreg:$0x1] =	wrdreg $0xFFFFFFFF  }
0xad: {  	[dreg:$0x0] =	wrdreg $0x60  }
0xae: {  	[dreg:$0x2] =	wrdreg s24  }
0xaf: {  	[dreg:$0x3] =	wrdreg s2  }
0xb0: {  	[dreg:$0x4] =	wrdreg $0x9  }
0xb1: {  	_ =	task.clear_ibuf [dreg:s7], $0x5FFFF;
	_ =	strace $0x90000046  }
0xb2: {  	s29 =	simm.s32 $0x9;
	_ =	strace $0x80000048  }
0xb3: {  	_ =	swait.ge [sflag:s29], $0x1  }
0xb4: {  	[sflag:s29] =	ssyncadd.s32 $0xFFFFFFFF  }
0xb5: {  	_ =	strace $0x90000048  }
0xb6: {  	_ =	sfence  }
0xb7: {  	s30 =	sld [smem:$0x0];
	_ =	sdelay $0x2  }
0xb8: {  	s31 =	sshll.u32 s1, $0xD;
	s1 =	sshrl.u32 s1, $0x2  }
0xb9: {  	s3 =	sand.u32 $0x4000, s31;
	s1 =	sadd.s32 s1, s30  }
0xba: {  	s0 =	sor.u32 s3, s0;
	s1 =	sshll.u32 s1, $0x11  }
0xbb: {  	s0 =	sor.u32 s1, s0  }
0xbc: {  	s0 =	sadd.s32 $0x8F2B, s0  }
0xbd: {  	[sflag:s0] =	ssyncadd.remote.s32 $0x1  }
0xbe: {  	_ =	sfence.sel $0xFFFF  }
0xbf: {  	[dreg:$0x0] =	wrdreg $0xFFFFFFFF;
	(pc) =	sbr.abs _section_cstart, $3  }
0xc0: {  	[dreg:$0x1] =	wrdreg $0xFFFFFFFF  }
0xc1: {  	_ =	task.clear_ibuf [dreg:s7], $0x2FFFF;
	_ =	strace $0x9FFFFFFF  }
0xc2: {  	(tm) =	ssettm $0x7FFFFFFF  }
0xc3: {  	_ =	shalt  }
tec
execute0_lowered:
.L_overlay_start_1:
0x0: {  	(tag) =	ssettag $0x1  }
0x1: {  	s4 =	rddreg [dreg:$0x0];
	s1 =	srdreg.scid  }
0x2: {  	s0 =	stileid.u32;
	s5 =	rddreg [dreg:$0x1];
	s2 =	simm.s32 $0x0  }
0x3: {  	s10 =	simm.s32 $0x5;
	s11 =	simm.s32 $0x80;
	s12 =	simm.s32 $0x6400  }
0x4: {  	s13 =	simm.s32 $0x1900;
	s14 =	simm.s32 $0x8400;
	s15 =	simm.s32 $0x3200  }
0x5: {  	s16 =	simm.s32 $0xA400;
	s17 =	simm.s32 $0x4B00;
	s18 =	simm.s32 $0xC400  }
0x6: {  	s19 =	simm.s32 $0x1;
	s20 =	simm.s32 $0x2;
	s21 =	simm.s32 $0x3  }
0x7: {  	s22 =	simm.s32 $0x4;
	s6 =	sand.u32 $0x1, s1;
	s1 =	rddreg [dreg:$0x2]  }
0x8: {  	s23 =	simm.s32 $0x0;
	s3 =	sshll.u32 s0, $0x1;
	[smem:$0x7FF] =	sst s2  }
0x9: {  	s7 =	sor.u32 s6, s3;
	_ =	strace $0x80000047;
	s6 =	ssub.s32 $0x2, s6  }
0xa: {  	s8 =	smul.u32 $0xC80, s7;
	s31 =	sshrl.u32 s6, $0x1;
	s7 =	sshll.u32 s7, $0xC  }
0xb: {  	s3 =	sadd.s32 $0xF42A00, s4;
	s9 =	ssub.s32 s6, s31;
	s5 =	sadd.s32 s5, s7  }
0xc: {  	s4 =	sadd.s32 s8, s4;
	s6 =	sadd.s32 $0x400, s5;
	s7 =	sadd.s32 $0x800, s5  }
0xd: {  	s8 =	sadd.s32 $0xC00, s5;
	s9 =	smax.u32 s9, $0x1;
	s4 =	sadd.s32 $0x600, s4  }
.LBB2_1:
0xe: {  	[tilespmem:s2], [sflag:$0x5] =	stream.linear.gather [hbm4b:s4+s2], $0x6400, $0x38;
	[tilespmem:$0xE400] =	vst v63  }
0xf: {  	_ =	swait.ge [sflag:s10], $0x6400  }
0x10: {  	[sflag:s10] =	ssyncset.done $0x0  }
0x11: {  	[sflag:s10] =	ssyncadd.s32 $0xFFFF9C00  }
0x12: {  	[tilespmem:s12], [sflag:$0x1] =	stream.indirect.gather [hbm4b:s3+s11], $0x40, s2, s11, $0xb8;
	[tilespmem:$0xE400] =	vst v63  }
0x13: {  	_ = 	snop  }
0x14: {  	[tilespmem:s14], [sflag:$0x2] =	stream.indirect.gather [hbm4b:s3+s11], $0x40, s13, s11, $0xb8;
	[tilespmem:$0xE400] =	vst v63  }
0x15: {  	_ = 	snop  }
0x16: {  	[tilespmem:s16], [sflag:$0x3] =	stream.indirect.gather [hbm4b:s3+s11], $0x40, s15, s11, $0xb8;
	[tilespmem:$0xE400] =	vst v63  }
0x17: {  	_ = 	snop  }
0x18: {  	[tilespmem:s18], [sflag:$0x4] =	stream.indirect.gather [hbm4b:s3+s11], $0x40, s17, s11, $0xb8;
	[tilespmem:$0xE400] =	vst v63  }
0x19: {  	_ =	swait.ge [sflag:s19], $0x2000  }
0x1a: {  	[sflag:s19] =	ssyncset.done $0x0  }
0x1b: {  	s24 =	simm.s32 $0x80;
	[sflag:s19] =	ssyncadd.s32 $0xFFFFE000  }
0x1c: {  	[tilespmem:s12], [sflag:$0x1] =	stream.indirect.gather.add.f32 [hbm:s3], $0x40, s24, s11, $0xb8;
	[tilespmem:$0xE400] =	vst v63  }
0x1d: {  	_ =	swait.ge [sflag:s20], $0x2000  }
0x1e: {  	[sflag:s20] =	ssyncset.done $0x0  }
0x1f: {  	s30 =	simm.s32 $0x1980;
	[sflag:s20] =	ssyncadd.s32 $0xFFFFE000  }
0x20: {  	[tilespmem:s14], [sflag:$0x2] =	stream.indirect.gather.add.f32 [hbm:s3], $0x40, s30, s11, $0xb8;
	[tilespmem:$0xE400] =	vst v63  }
0x21: {  	_ =	swait.ge [sflag:s21], $0x2000  }
0x22: {  	[sflag:s21] =	ssyncset.done $0x0  }
0x23: {  	s31 =	simm.s32 $0x3280;
	[sflag:s21] =	ssyncadd.s32 $0xFFFFE000  }
0x24: {  	[tilespmem:s16], [sflag:$0x3] =	stream.indirect.gather.add.f32 [hbm:s3], $0x40, s31, s11, $0xb8;
	[tilespmem:$0xE400] =	vst v63  }
0x25: {  	_ =	swait.ge [sflag:s22], $0x2000  }
0x26: {  	[sflag:s22] =	ssyncset.done $0x0  }
0x27: {  	s25 =	simm.s32 $0x4B80;
	s24 =	simm.s32 $0x6800;
	[sflag:s22] =	ssyncadd.s32 $0xFFFFE000  }
.LBB2_2:
0x28: {  	[tilespmem:s18], [sflag:$0x4] =	stream.indirect.gather.add.f32 [hbm:s3], $0x40, s25, s11, $0xb8;
	[tilespmem:$0xE400] =	vst v63  }
0x29: {  	s25 =	smov.u32 s24  }
0x2a: {  	p0 =	sne.s32 s24, $0xC600;
	s24 =	sadd.s32 $0x200, s24;
	_ =	swait.ge [sflag:s19], $0x2000  }
0x2b: {  	s25 =	sshra.s32 s25, $0x2;
	[sflag:s19] =	ssyncset.done $0x0  }
0x2c: {  	s26 =	sadd.s32 $0xFFFFE700, s25;
	[sflag:s19] =	ssyncadd.s32 $0xFFFFE000  }
0x2d: {  	[tilespmem:s12], [sflag:$0x1] =	stream.indirect.gather.add.f32 [hbm:s3], $0x40, s26, s11, $0xb8;
	[tilespmem:$0xE400] =	vst v63  }
0x2e: {  	_ =	swait.ge [sflag:s20], $0x2000  }
0x2f: {  	[sflag:s20] =	ssyncset.done $0x0  }
0x30: {  	[sflag:s20] =	ssyncadd.s32 $0xFFFFE000  }
0x31: {  	[tilespmem:s14], [sflag:$0x2] =	stream.indirect.gather.add.f32 [hbm:s3], $0x40, s25, s11, $0xb8;
	[tilespmem:$0xE400] =	vst v63  }
0x32: {  	_ =	swait.ge [sflag:s21], $0x2000  }
0x33: {  	[sflag:s21] =	ssyncset.done $0x0  }
.Ltmp0:
0x34: {  	s26 =	sadd.s32 $0x1900, s25;
	[sflag:s21] =	ssyncadd.s32 $0xFFFFE000;
	(pc) =	sbr.rel @p0 .LBB2_2-.Ltmp0, $4  }
0x35: {  	[tilespmem:s16], [sflag:$0x3] =	stream.indirect.gather.add.f32 [hbm:s3], $0x40, s26, s11, $0xb8;
	[tilespmem:$0xE400] =	vst v63  }
0x36: {  	_ =	swait.ge [sflag:s22], $0x2000  }
0x37: {  	[sflag:s22] =	ssyncset.done $0x0  }
0x38: {  	s25 =	sadd.s32 $0x3200, s25;
	[sflag:s22] =	ssyncadd.s32 $0xFFFFE000  }
0x39: {  	[tilespmem:s18], [sflag:$0x4] =	stream.indirect.gather.add.f32 [hbm:s3], $0x40, s25, s11, $0xb8;
	[tilespmem:$0xE400] =	vst v63  }
0x3a: {  	_ =	swait.ge [sflag:s19], $0x2000  }
0x3b: {  	[sflag:s19] =	ssyncset.done $0x0  }
0x3c: {  	[sflag:s19] =	ssyncadd.s32 $0xFFFFE000  }
0x3d: {  	[hbm4b:s5+s2] =	stream.linear.scatter [tilespmem:s12], [sflag:$0x5], $0x2000, $0x38;
	[tilespmem:$0xE400] =	vst v63  }
0x3e: {  	_ =	swait.ge [sflag:s10], $0x2000  }
0x3f: {  	[sflag:s10] =	ssyncset.done $0x0  }
0x40: {  	[sflag:s10] =	ssyncadd.s32 $0xFFFFE000  }
0x41: {  	_ =	swait.ge [sflag:s20], $0x2000  }
0x42: {  	[sflag:s20] =	ssyncset.done $0x0  }
0x43: {  	[sflag:s20] =	ssyncadd.s32 $0xFFFFE000  }
0x44: {  	[hbm4b:s6+s2] =	stream.linear.scatter [tilespmem:s14], [sflag:$0x5], $0x2000, $0x38;
	[tilespmem:$0xE400] =	vst v63  }
0x45: {  	_ =	swait.ge [sflag:s10], $0x2000  }
0x46: {  	[sflag:s10] =	ssyncset.done $0x0  }
0x47: {  	[sflag:s10] =	ssyncadd.s32 $0xFFFFE000  }
0x48: {  	_ =	swait.ge [sflag:s21], $0x2000  }
0x49: {  	[sflag:s21] =	ssyncset.done $0x0  }
0x4a: {  	[sflag:s21] =	ssyncadd.s32 $0xFFFFE000  }
0x4b: {  	[hbm4b:s7+s2] =	stream.linear.scatter [tilespmem:s16], [sflag:$0x5], $0x2000, $0x38;
	[tilespmem:$0xE400] =	vst v63  }
0x4c: {  	_ =	swait.ge [sflag:s10], $0x2000  }
0x4d: {  	[sflag:s10] =	ssyncset.done $0x0  }
0x4e: {  	[sflag:s10] =	ssyncadd.s32 $0xFFFFE000  }
0x4f: {  	s23 =	sadd.s32 $0x1, s23;
	_ =	swait.ge [sflag:s22], $0x2000  }
0x50: {  	p0 =	sne.s32 s23, s9;
	[sflag:s22] =	ssyncset.done $0x0  }
.Ltmp1:
0x51: {  	[sflag:s22] =	ssyncadd.s32 $0xFFFFE000;
	(pc) =	sbr.rel @p0 .LBB2_1-.Ltmp1, $4  }
0x52: {  	[hbm4b:s8+s2] =	stream.linear.scatter [tilespmem:s18], [sflag:$0x5], $0x2000, $0x38;
	[tilespmem:$0xE400] =	vst v63  }
0x53: {  	_ =	swait.ge [sflag:s10], $0x2000  }
0x54: {  	[sflag:s10] =	ssyncset.done $0x0  }
0x55: {  	[sflag:s10] =	ssyncadd.s32 $0xFFFFE000  }
0x56: {  	_ =	sfence.sel $0x180000  }
0x57: {  	[bflag:$0x0] =	sbarrier.arrive $0xFFFF  }
0x58: {  	p0 =	sne.s32 s0, $0x0;
	_ =	strace $0x90000047  }
0x59: {  	s0 =	sadd.s32 @!p0 $0x100000, s1;
	[bflag:$0x2] =	sbarrier.arrive $0xFFFF  }
0x5a: {  	[sflag:s0] =	ssyncadd.tile.s32 @!p0 $0x1;
	_ =	shalt  }
.Lfunc_end2:
_tile_overlayer_lowered:
.L_overlay_start_2:
0x5b: {  	(tag) =	ssettag $0x2  }
0x5c: {  	s0 =	rddreg [dreg:$0x0];
	s2 =	stileid.u32  }
0x5d: {  	s1 =	rddreg [dreg:$0x1];
	p0 =	sne.s32 s2, $0x0  }
0x5e: {  	s3 =	rddreg [dreg:$0x2];
	[bflag:$0x3] =	sbarrier.arrive $0xFFFF;
	s2 =	simm.s32 @!p0 $0x1C05  }
0x5f: {  	[timem:s3], [sflag:s2] =	dma.local @!p0 [hbm:s0], s1  }
0x60: {  	s0 =	simm.s32 @!p0 $0x5  }
0x61: {  	_ =	swait.ge @!p0 [sflag:s0], s1  }
0x62: {  	s1 =	ssub.s32 @!p0 $0x0, s1;
	[sflag:s0] =	ssyncset.done @!p0 $0x0  }
0x63: {  	[sflag:s0] =	ssyncadd.s32 @!p0 s1  }
0x64: {  	[bflag:$0x3] =	sbarrier.arrive $0xFFFF  }
0x65: {  	_ =	shalt  }

</sc_bundles>
